<compile_context>
chip_gen: v7x
topology: tpu7x:2x2x1
jax: 0.10.2.dev20260603
libtpu: 0.0.44.dev20260713+nightly
codegen_flags: <defaults>
</compile_context>

<pallas_src>
import functools

import jax
import jax.numpy as jnp
from jax import lax
from jax.experimental import pallas as pl
from jax.experimental.pallas import tpu as pltpu
from jax.experimental.pallas import tpu_sc as plsc

N_NODES = 10000
N_EDGES = 320000
HIDDEN = 128
FF = 4 * HIDDEN
RATIO = 0.8
K_TOP = int(RATIO * N_EDGES)


_P = 1
_EP = N_EDGES // _P
_NW = 32
_EW = _EP // _NW
_C = 80
_NCH = _EW // _C


def _gather_sc(emb, row, col):
  mesh = plsc.VectorSubcoreMesh(core_axis_name="c", subcore_axis_name="s",
                                num_cores=2, num_subcores=16)

  @functools.partial(
      pl.kernel,
      mesh=mesh,
      compiler_params=pltpu.CompilerParams(needs_layout_passes=False),
      out_type=jax.ShapeDtypeStruct((2 * _EP, HIDDEN), jnp.float32),
      scratch_types=[
          pltpu.VMEM((_EW,), jnp.int32),
          pltpu.VMEM((_EW,), jnp.int32),
          pltpu.VMEM((_C, HIDDEN), jnp.float32),
          pltpu.VMEM((_C, HIDDEN), jnp.float32),
          pltpu.VMEM((_C, HIDDEN), jnp.float32),
          pltpu.VMEM((_C, HIDDEN), jnp.float32),
          pltpu.SemaphoreType.DMA,
          pltpu.SemaphoreType.DMA,
          pltpu.SemaphoreType.DMA,
          pltpu.SemaphoreType.DMA,
      ],
  )
  def body(emb_hbm, row_hbm, col_hbm, out_hbm,
           rowi_v, coli_v, ra, rb, ca, cb, s_ra, s_rb, s_ca, s_cb):
    wid = lax.axis_index("s") * 2 + lax.axis_index("c")
    base = wid * _EW
    pltpu.sync_copy(row_hbm.at[pl.ds(base, _EW)], rowi_v)
    pltpu.sync_copy(col_hbm.at[pl.ds(base, _EW)], coli_v)

    def fire(c, rbuf, cbuf, s1, s2):
      off = c * _C
      pltpu.async_copy(emb_hbm.at[rowi_v.at[pl.ds(off, _C)]], rbuf, s1)
      pltpu.async_copy(emb_hbm.at[coli_v.at[pl.ds(off, _C)]], cbuf, s2)

    def wait(c, rbuf, cbuf, s1, s2):
      off = c * _C
      pltpu.make_async_copy(emb_hbm.at[rowi_v.at[pl.ds(off, _C)]], rbuf, s1).wait()
      pltpu.make_async_copy(emb_hbm.at[coli_v.at[pl.ds(off, _C)]], cbuf, s2).wait()

    def flush(c, rbuf, cbuf):
      off = base + c * _C
      pltpu.sync_copy(rbuf, out_hbm.at[pl.ds(off, _C)])
      pltpu.sync_copy(cbuf, out_hbm.at[pl.ds(_EP + off, _C)])

    fire(0, ra, ca, s_ra, s_ca)

    def pair(i, tok):
      c0 = 2 * i
      fire(c0 + 1, rb, cb, s_rb, s_cb)
      wait(c0, ra, ca, s_ra, s_ca)
      flush(c0, ra, ca)
      fire(c0 + 2, ra, ca, s_ra, s_ca)
      wait(c0 + 1, rb, cb, s_rb, s_cb)
      flush(c0 + 1, rb, cb)
      return tok

    lax.fori_loop(0, (_NCH - 1) // 2, pair, 0)
    wait(_NCH - 1, ra, ca, s_ra, s_ca)
    flush(_NCH - 1, ra, ca)

  return body(emb, row, col)



_BLK = 2560
_DN = (((1,), (0,)), ((), ()))


def _mm_body(a_ref, b_ref, w1_ref, b1_ref, w2_ref, out_ref):
  er = jnp.concatenate([a_ref[...], b_ref[...]], axis=1)
  h = jax.nn.relu(
      lax.dot_general(er, w1_ref[...], _DN,
                      preferred_element_type=jnp.float32) + b1_ref[...])
  att = lax.dot_general(h, w2_ref[...], _DN,
                        preferred_element_type=jnp.float32)
  out_ref[...] = att[:, :1]


def _edge_att_tc(gath, W1, b1, W2pad):
  a = gath[:_EP]
  b = gath[_EP:]
  return pl.pallas_call(
      _mm_body,
      grid=(_EP // _BLK,),
      in_specs=[
          pl.BlockSpec((_BLK, HIDDEN), lambda i: (i, 0)),
          pl.BlockSpec((_BLK, HIDDEN), lambda i: (i, 0)),
          pl.BlockSpec((2 * HIDDEN, FF), lambda i: (0, 0)),
          pl.BlockSpec((1, FF), lambda i: (0, 0)),
          pl.BlockSpec((FF, HIDDEN), lambda i: (0, 0)),
      ],
      out_specs=pl.BlockSpec((_BLK, 1), lambda i: (i, 0)),
      out_shape=jax.ShapeDtypeStruct((_EP, 1), jnp.float32),
  )(a, b, W1, b1.reshape(1, FF), W2pad)



_ROWS = N_EDGES // 128


def _topk_body(att_ref, b2_ref, out_ref):
  att = att_ref[...] + b2_ref[0, 0]
  si = lax.bitcast_convert_type(att, jnp.int32)
  flip = lax.shift_right_arithmetic(si, 31) | jnp.int32(-2**31)
  key = lax.bitcast_convert_type(si ^ flip, jnp.uint32)

  def bit_body(i, t):
    cand = t | lax.shift_left(jnp.uint32(1), (jnp.uint32(31) - i.astype(jnp.uint32)))
    cnt = jnp.sum((key >= cand).astype(jnp.int32))
    return jnp.where(cnt >= K_TOP, cand, t)

  t = lax.fori_loop(0, 32, bit_body, jnp.uint32(0))

  c_gt = jnp.sum((key > t).astype(jnp.int32))
  r = K_TOP - c_gt
  eq = key == t
  idxs = (lax.broadcasted_iota(jnp.int32, (_ROWS, 128), 0) * 128
          + lax.broadcasted_iota(jnp.int32, (_ROWS, 128), 1))

  def idx_body(i, c):
    cand = c | lax.shift_left(jnp.int32(1), jnp.int32(18) - i)
    cnt = jnp.sum((eq & (idxs < cand)).astype(jnp.int32))
    return jnp.where(cnt < r, cand, c)

  cut = lax.fori_loop(0, 19, idx_body, jnp.int32(0))

  mask = (key > t) | (eq & (idxs <= cut))
  causal = jnp.where(mask, att, 0.0)
  out_ref[0] = att
  out_ref[1] = causal
  out_ref[2] = att - causal


def _topk_split(att, b2):
  return pl.pallas_call(
      _topk_body,
      in_specs=[
          pl.BlockSpec((_ROWS, 128), lambda: (0, 0)),
          pl.BlockSpec(memory_space=pltpu.SMEM),
      ],
      out_specs=pl.BlockSpec((3, _ROWS, 128), lambda: (0, 0, 0)),
      out_shape=jax.ShapeDtypeStruct((3, _ROWS, 128), jnp.float32),
  )(att.reshape(_ROWS, 128), b2.reshape(1, 1))




def kernel(emb, edge_index, W1, b1, W2, b2):
  W2pad = jnp.pad(W2, ((0, 0), (0, HIDDEN - 1)))
  gaths = [
      _gather_sc(emb,
                 lax.slice_in_dim(edge_index[0], p * _EP, (p + 1) * _EP),
                 lax.slice_in_dim(edge_index[1], p * _EP, (p + 1) * _EP))
      for p in range(_P)
  ]
  atts = [_edge_att_tc(g, W1, b1, W2pad) for g in gaths]
  att = jnp.concatenate(atts, axis=0)
  out = _topk_split(att.reshape(-1), b2)
  return out.reshape(3, N_EDGES)

# --- scband reference (transcript-rebuilt; emitter-appended) ---
"""Pipeline reference for scband-ciga-88811333747007 (READ-ONLY COPY).

The authoritative reference and input builder live on the scoring server;
editing this copy changes nothing except your own understanding.
"""

import jax, jax.numpy as jnp
import numpy as np

N_NODES = 10000
N_EDGES = 320000
HIDDEN = 128
RATIO = 0.8


def setup_inputs(seed: int = 0) -> dict:
    key = jax.random.key(seed)
    k1, k2, k3, k4 = jax.random.split(key, 4)
    emb = jax.random.normal(k1, (N_NODES, HIDDEN), dtype=jnp.float32)
    edge_index = jax.random.randint(k2, (2, N_EDGES), 0, N_NODES, dtype=jnp.int32)
    # extractor MLP: Linear(2H -> 4H), ReLU, Linear(4H -> 1)
    W1 = jax.random.normal(k3, (2 * HIDDEN, 4 * HIDDEN), dtype=jnp.float32) * (1.0 / np.sqrt(2 * HIDDEN))
    b1 = jnp.zeros((4 * HIDDEN,), dtype=jnp.float32)
    W2 = jax.random.normal(k4, (4 * HIDDEN, 1), dtype=jnp.float32) * (1.0 / np.sqrt(4 * HIDDEN))
    b2 = jnp.zeros((1,), dtype=jnp.float32)
    return {"emb": emb, "edge_index": edge_index, "W1": W1, "b1": b1, "W2": W2, "b2": b2}


def reference(emb, edge_index, W1, b1, W2, b2):
    # edge attention scoring (CIGA extractor)
    row = edge_index[0]
    col = edge_index[1]
    edge_rep = jnp.concatenate([jnp.take(emb, row, axis=0), jnp.take(emb, col, axis=0)], axis=-1)
    h = jax.nn.relu(edge_rep @ W1 + b1)
    edge_att = (h @ W2 + b2).reshape(-1)
    # top-k edge masking: split_graph keeps top ratio*E edges as the causal
    # subgraph, the remainder as the spurious subgraph
    E = edge_att.shape[0]
    k = int(RATIO * E)
    _, top_idx = jax.lax.top_k(edge_att, k)
    causal_mask = jnp.zeros((E,), dtype=edge_att.dtype).at[top_idx].set(1.0)
    causal_edge_weight = edge_att * causal_mask
    spu_edge_weight = edge_att * (1.0 - causal_mask)
    return jnp.stack([edge_att, causal_edge_weight, spu_edge_weight], axis=0)

if __name__ == "__main__":
    import jax
    _d = setup_inputs()
    print(jax.jit(kernel)(*tuple(_d.values())))

</pallas_src>

<mosaic_0001>
#map = affine_map<(d0, d1) -> (0, 0)>
#map1 = affine_map<(d0, d1) -> (0)>
module attributes {stable_mosaic.version = 14 : i64} {
  func.func @body(%arg0: i32, %arg1: i32, %arg2: memref<10000x128xf32, #tpu.memory_space<hbm>>, %arg3: memref<320000xi32, #tpu.memory_space<hbm>>, %arg4: memref<320000xi32, #tpu.memory_space<hbm>>, %arg5: memref<640000x128xf32, #tpu.memory_space<hbm>>, %arg6: memref<10000xi32, #tpu.memory_space<vmem>>, %arg7: memref<10000xi32, #tpu.memory_space<vmem>>, %arg8: memref<80x128xf32, #tpu.memory_space<vmem>>, %arg9: memref<80x128xf32, #tpu.memory_space<vmem>>, %arg10: memref<80x128xf32, #tpu.memory_space<vmem>>, %arg11: memref<80x128xf32, #tpu.memory_space<vmem>>, %arg12: memref<!tpu.dma_semaphore, #tpu.memory_space<semaphore_mem>>, %arg13: memref<!tpu.dma_semaphore, #tpu.memory_space<semaphore_mem>>, %arg14: memref<!tpu.dma_semaphore, #tpu.memory_space<semaphore_mem>>, %arg15: memref<!tpu.dma_semaphore, #tpu.memory_space<semaphore_mem>>) attributes {dimension_semantics = [#tpu.dimension_semantics<core_parallel>, #tpu.dimension_semantics<subcore_parallel>], iteration_bounds = array<i64: 2, 16>, scalar_prefetch = 0 : i64, scratch_operands = 10 : i64, tpu.core_type = #tpu.core_type<sc_vector_subcore>, window_params = [{transform_indices = #map}, {transform_indices = #map1}, {transform_indices = #map1}, {transform_indices = #map}]} {
    %mul3A = arith.constant 2 : i32
    %mul3A_0 = arith.muli %arg1, %mul3A : i32
    %add3A = arith.addi %mul3A_0, %arg0 : i32
    %mul3A_1 = arith.constant 10000 : i32
    %mul3A_2 = arith.muli %add3A, %mul3A_1 : i32
    "tpu.region"() ({
      %run_scoped3A = tpu.sem_alloc : memref<!tpu.dma_semaphore, #tpu.memory_space<semaphore_mem>>
      %dma_start3A_30 = tpu.memref_slice %arg3[%mul3A_2] : memref<320000xi32, #tpu.memory_space<hbm>> -> memref<10000xi32, #tpu.memory_space<hbm>>
      %dma_start3A_31 = tpu.memref_slice %arg3[%mul3A_2] : memref<320000xi32, #tpu.memory_space<hbm>> -> memref<10000xi32, #tpu.memory_space<hbm>>
      tpu.enqueue_dma source(%dma_start3A_31 : memref<10000xi32, #tpu.memory_space<hbm>>) target(%arg6 : memref<10000xi32, #tpu.memory_space<vmem>>) target_semaphore(%run_scoped3A : memref<!tpu.dma_semaphore, #tpu.memory_space<semaphore_mem>>)
      %dma_wait3A_32 = tpu.memref_slice %arg3[%mul3A_2] : memref<320000xi32, #tpu.memory_space<hbm>> -> memref<10000xi32, #tpu.memory_space<hbm>>
      %dma_wait3A_33 = tpu.memref_slice %arg3[%mul3A_2] : memref<320000xi32, #tpu.memory_space<hbm>> -> memref<10000xi32, #tpu.memory_space<hbm>>
      tpu.wait_dma2 semaphore(%run_scoped3A : memref<!tpu.dma_semaphore, #tpu.memory_space<semaphore_mem>>) src(%dma_wait3A_33 : memref<10000xi32, #tpu.memory_space<hbm>>) dst(%arg6 : memref<10000xi32, #tpu.memory_space<vmem>>)
      tpu.yield
    }) : () -> ()
    "tpu.region"() ({
      %run_scoped3A = tpu.sem_alloc : memref<!tpu.dma_semaphore, #tpu.memory_space<semaphore_mem>>
      %dma_start3A_30 = tpu.memref_slice %arg4[%mul3A_2] : memref<320000xi32, #tpu.memory_space<hbm>> -> memref<10000xi32, #tpu.memory_space<hbm>>
      %dma_start3A_31 = tpu.memref_slice %arg4[%mul3A_2] : memref<320000xi32, #tpu.memory_space<hbm>> -> memref<10000xi32, #tpu.memory_space<hbm>>
      tpu.enqueue_dma source(%dma_start3A_31 : memref<10000xi32, #tpu.memory_space<hbm>>) target(%arg7 : memref<10000xi32, #tpu.memory_space<vmem>>) target_semaphore(%run_scoped3A : memref<!tpu.dma_semaphore, #tpu.memory_space<semaphore_mem>>)
      %dma_wait3A_32 = tpu.memref_slice %arg4[%mul3A_2] : memref<320000xi32, #tpu.memory_space<hbm>> -> memref<10000xi32, #tpu.memory_space<hbm>>
      %dma_wait3A_33 = tpu.memref_slice %arg4[%mul3A_2] : memref<320000xi32, #tpu.memory_space<hbm>> -> memref<10000xi32, #tpu.memory_space<hbm>>
      tpu.wait_dma2 semaphore(%run_scoped3A : memref<!tpu.dma_semaphore, #tpu.memory_space<semaphore_mem>>) src(%dma_wait3A_33 : memref<10000xi32, #tpu.memory_space<hbm>>) dst(%arg7 : memref<10000xi32, #tpu.memory_space<vmem>>)
      tpu.yield
    }) : () -> ()
    %dma_start3A = arith.constant 0 : i32
    %dma_start3A_3 = tpu.memref_slice %arg6[%dma_start3A] : memref<10000xi32, #tpu.memory_space<vmem>> -> memref<80xi32, #tpu.memory_space<vmem>>
    %dma_start3A_4 = arith.constant 0 : i32
    %dma_start3A_5 = arith.constant 0 : i32
    %dma_start3A_6 = tpu.memref_slice %arg2[%dma_start3A_4, %dma_start3A_5] : memref<10000x128xf32, #tpu.memory_space<hbm>> -> memref<10000x128xf32, #tpu.memory_space<hbm>>
    tpu.enqueue_indirect_dma source(%dma_start3A_6 : memref<10000x128xf32, #tpu.memory_space<hbm>>) target(%arg8 : memref<80x128xf32, #tpu.memory_space<vmem>>) offsets(%dma_start3A_3 : memref<80xi32, #tpu.memory_space<vmem>>) semaphore(%arg12 : memref<!tpu.dma_semaphore, #tpu.memory_space<semaphore_mem>>)
    %dma_start3A_7 = arith.constant 0 : i32
    %dma_start3A_8 = tpu.memref_slice %arg7[%dma_start3A_7] : memref<10000xi32, #tpu.memory_space<vmem>> -> memref<80xi32, #tpu.memory_space<vmem>>
    %dma_start3A_9 = arith.constant 0 : i32
    %dma_start3A_10 = arith.constant 0 : i32
    %dma_start3A_11 = tpu.memref_slice %arg2[%dma_start3A_9, %dma_start3A_10] : memref<10000x128xf32, #tpu.memory_space<hbm>> -> memref<10000x128xf32, #tpu.memory_space<hbm>>
    tpu.enqueue_indirect_dma source(%dma_start3A_11 : memref<10000x128xf32, #tpu.memory_space<hbm>>) target(%arg10 : memref<80x128xf32, #tpu.memory_space<vmem>>) offsets(%dma_start3A_8 : memref<80xi32, #tpu.memory_space<vmem>>) semaphore(%arg14 : memref<!tpu.dma_semaphore, #tpu.memory_space<semaphore_mem>>)
    %scan3A = arith.constant 0 : i32
    %scan3A_12 = arith.constant 0 : i32
    %scan3A_13 = arith.constant 62 : i32
    %scan3A_14 = arith.addi %scan3A_12, %scan3A_13 : i32
    %scan3A_15 = arith.constant 1 : i32
    scf.for %scan3A_30 = %scan3A_12 to %scan3A_14 step %scan3A_15  : i32 {
      %mul3A_31 = arith.constant 2 : i32
      %mul3A_32 = arith.muli %mul3A_31, %scan3A_30 : i32
      %add3A_33 = arith.constant 1 : i32
      %add3A_34 = arith.addi %mul3A_32, %add3A_33 : i32
      %mul3A_35 = arith.constant 80 : i32
      %mul3A_36 = arith.muli %add3A_34, %mul3A_35 : i32
      %dma_start3A_37 = tpu.memref_slice %arg6[%mul3A_36] : memref<10000xi32, #tpu.memory_space<vmem>> -> memref<80xi32, #tpu.memory_space<vmem>>
      %dma_start3A_38 = arith.constant 0 : i32
      %dma_start3A_39 = arith.constant 0 : i32
      %dma_start3A_40 = tpu.memref_slice %arg2[%dma_start3A_38, %dma_start3A_39] : memref<10000x128xf32, #tpu.memory_space<hbm>> -> memref<10000x128xf32, #tpu.memory_space<hbm>>
      tpu.enqueue_indirect_dma source(%dma_start3A_40 : memref<10000x128xf32, #tpu.memory_space<hbm>>) target(%arg9 : memref<80x128xf32, #tpu.memory_space<vmem>>) offsets(%dma_start3A_37 : memref<80xi32, #tpu.memory_space<vmem>>) semaphore(%arg13 : memref<!tpu.dma_semaphore, #tpu.memory_space<semaphore_mem>>)
      %dma_start3A_41 = tpu.memref_slice %arg7[%mul3A_36] : memref<10000xi32, #tpu.memory_space<vmem>> -> memref<80xi32, #tpu.memory_space<vmem>>
      %dma_start3A_42 = arith.constant 0 : i32
      %dma_start3A_43 = arith.constant 0 : i32
      %dma_start3A_44 = tpu.memref_slice %arg2[%dma_start3A_42, %dma_start3A_43] : memref<10000x128xf32, #tpu.memory_space<hbm>> -> memref<10000x128xf32, #tpu.memory_space<hbm>>
      tpu.enqueue_indirect_dma source(%dma_start3A_44 : memref<10000x128xf32, #tpu.memory_space<hbm>>) target(%arg11 : memref<80x128xf32, #tpu.memory_space<vmem>>) offsets(%dma_start3A_41 : memref<80xi32, #tpu.memory_space<vmem>>) semaphore(%arg15 : memref<!tpu.dma_semaphore, #tpu.memory_space<semaphore_mem>>)
      %mul3A_45 = arith.constant 80 : i32
      %mul3A_46 = arith.muli %mul3A_32, %mul3A_45 : i32
      %dma_wait3A_47 = tpu.memref_slice %arg6[%mul3A_46] : memref<10000xi32, #tpu.memory_space<vmem>> -> memref<80xi32, #tpu.memory_space<vmem>>
      %dma_wait3A_48 = arith.constant 0 : i32
      %dma_wait3A_49 = arith.constant 0 : i32
      %dma_wait3A_50 = tpu.memref_slice %arg2[%dma_wait3A_48, %dma_wait3A_49] : memref<10000x128xf32, #tpu.memory_space<hbm>> -> memref<10000x128xf32, #tpu.memory_space<hbm>>
      tpu.wait_indirect_dma semaphore(%arg12 : memref<!tpu.dma_semaphore, #tpu.memory_space<semaphore_mem>>) src(%dma_wait3A_50 : memref<10000x128xf32, #tpu.memory_space<hbm>>) dst(%arg8 : memref<80x128xf32, #tpu.memory_space<vmem>>)
      %dma_wait3A_51 = tpu.memref_slice %arg7[%mul3A_46] : memref<10000xi32, #tpu.memory_space<vmem>> -> memref<80xi32, #tpu.memory_space<vmem>>
      %dma_wait3A_52 = arith.constant 0 : i32
      %dma_wait3A_53 = arith.constant 0 : i32
      %dma_wait3A_54 = tpu.memref_slice %arg2[%dma_wait3A_52, %dma_wait3A_53] : memref<10000x128xf32, #tpu.memory_space<hbm>> -> memref<10000x128xf32, #tpu.memory_space<hbm>>
      tpu.wait_indirect_dma semaphore(%arg14 : memref<!tpu.dma_semaphore, #tpu.memory_space<semaphore_mem>>) src(%dma_wait3A_54 : memref<10000x128xf32, #tpu.memory_space<hbm>>) dst(%arg10 : memref<80x128xf32, #tpu.memory_space<vmem>>)
      %mul3A_55 = arith.constant 80 : i32
      %mul3A_56 = arith.muli %mul3A_32, %mul3A_55 : i32
      %add3A_57 = arith.addi %mul3A_2, %mul3A_56 : i32
      "tpu.region"() ({
        %run_scoped3A = tpu.sem_alloc : memref<!tpu.dma_semaphore, #tpu.memory_space<semaphore_mem>>
        %dma_start3A_91 = arith.constant 0 : i32
        %dma_start3A_92 = tpu.memref_slice %arg5[%add3A_57, %dma_start3A_91] : memref<640000x128xf32, #tpu.memory_space<hbm>> -> memref<80x128xf32, #tpu.memory_space<hbm>>
        %dma_start3A_93 = arith.constant 0 : i32
        %dma_start3A_94 = tpu.memref_slice %arg5[%add3A_57, %dma_start3A_93] : memref<640000x128xf32, #tpu.memory_space<hbm>> -> memref<80x128xf32, #tpu.memory_space<hbm>>
        tpu.enqueue_dma source(%arg8 : memref<80x128xf32, #tpu.memory_space<vmem>>) target(%dma_start3A_94 : memref<80x128xf32, #tpu.memory_space<hbm>>) target_semaphore(%run_scoped3A : memref<!tpu.dma_semaphore, #tpu.memory_space<semaphore_mem>>)
        %dma_wait3A_95 = arith.constant 0 : i32
        %dma_wait3A_96 = tpu.memref_slice %arg5[%add3A_57, %dma_wait3A_95] : memref<640000x128xf32, #tpu.memory_space<hbm>> -> memref<80x128xf32, #tpu.memory_space<hbm>>
        %dma_wait3A_97 = arith.constant 0 : i32
        %dma_wait3A_98 = tpu.memref_slice %arg5[%add3A_57, %dma_wait3A_97] : memref<640000x128xf32, #tpu.memory_space<hbm>> -> memref<80x128xf32, #tpu.memory_space<hbm>>
        tpu.wait_dma2 semaphore(%run_scoped3A : memref<!tpu.dma_semaphore, #tpu.memory_space<semaphore_mem>>) src(%arg8 : memref<80x128xf32, #tpu.memory_space<vmem>>) dst(%dma_wait3A_98 : memref<80x128xf32, #tpu.memory_space<hbm>>)
        tpu.yield
      }) : () -> ()
      %add3A_58 = arith.constant 320000 : i32
      %add3A_59 = arith.addi %add3A_58, %add3A_57 : i32
      "tpu.region"() ({
        %run_scoped3A = tpu.sem_alloc : memref<!tpu.dma_semaphore, #tpu.memory_space<semaphore_mem>>
        %dma_start3A_91 = arith.constant 0 : i32
        %dma_start3A_92 = tpu.memref_slice %arg5[%add3A_59, %dma_start3A_91] : memref<640000x128xf32, #tpu.memory_space<hbm>> -> memref<80x128xf32, #tpu.memory_space<hbm>>
        %dma_start3A_93 = arith.constant 0 : i32
        %dma_start3A_94 = tpu.memref_slice %arg5[%add3A_59, %dma_start3A_93] : memref<640000x128xf32, #tpu.memory_space<hbm>> -> memref<80x128xf32, #tpu.memory_space<hbm>>
        tpu.enqueue_dma source(%arg10 : memref<80x128xf32, #tpu.memory_space<vmem>>) target(%dma_start3A_94 : memref<80x128xf32, #tpu.memory_space<hbm>>) target_semaphore(%run_scoped3A : memref<!tpu.dma_semaphore, #tpu.memory_space<semaphore_mem>>)
        %dma_wait3A_95 = arith.constant 0 : i32
        %dma_wait3A_96 = tpu.memref_slice %arg5[%add3A_59, %dma_wait3A_95] : memref<640000x128xf32, #tpu.memory_space<hbm>> -> memref<80x128xf32, #tpu.memory_space<hbm>>
        %dma_wait3A_97 = arith.constant 0 : i32
        %dma_wait3A_98 = tpu.memref_slice %arg5[%add3A_59, %dma_wait3A_97] : memref<640000x128xf32, #tpu.memory_space<hbm>> -> memref<80x128xf32, #tpu.memory_space<hbm>>
        tpu.wait_dma2 semaphore(%run_scoped3A : memref<!tpu.dma_semaphore, #tpu.memory_space<semaphore_mem>>) src(%arg10 : memref<80x128xf32, #tpu.memory_space<vmem>>) dst(%dma_wait3A_98 : memref<80x128xf32, #tpu.memory_space<hbm>>)
        tpu.yield
      }) : () -> ()
      %add3A_60 = arith.constant 2 : i32
      %add3A_61 = arith.addi %mul3A_32, %add3A_60 : i32
      %mul3A_62 = arith.constant 80 : i32
      %mul3A_63 = arith.muli %add3A_61, %mul3A_62 : i32
      %dma_start3A_64 = tpu.memref_slice %arg6[%mul3A_63] : memref<10000xi32, #tpu.memory_space<vmem>> -> memref<80xi32, #tpu.memory_space<vmem>>
      %dma_start3A_65 = arith.constant 0 : i32
      %dma_start3A_66 = arith.constant 0 : i32
      %dma_start3A_67 = tpu.memref_slice %arg2[%dma_start3A_65, %dma_start3A_66] : memref<10000x128xf32, #tpu.memory_space<hbm>> -> memref<10000x128xf32, #tpu.memory_space<hbm>>
      tpu.enqueue_indirect_dma source(%dma_start3A_67 : memref<10000x128xf32, #tpu.memory_space<hbm>>) target(%arg8 : memref<80x128xf32, #tpu.memory_space<vmem>>) offsets(%dma_start3A_64 : memref<80xi32, #tpu.memory_space<vmem>>) semaphore(%arg12 : memref<!tpu.dma_semaphore, #tpu.memory_space<semaphore_mem>>)
      %dma_start3A_68 = tpu.memref_slice %arg7[%mul3A_63] : memref<10000xi32, #tpu.memory_space<vmem>> -> memref<80xi32, #tpu.memory_space<vmem>>
      %dma_start3A_69 = arith.constant 0 : i32
      %dma_start3A_70 = arith.constant 0 : i32
      %dma_start3A_71 = tpu.memref_slice %arg2[%dma_start3A_69, %dma_start3A_70] : memref<10000x128xf32, #tpu.memory_space<hbm>> -> memref<10000x128xf32, #tpu.memory_space<hbm>>
      tpu.enqueue_indirect_dma source(%dma_start3A_71 : memref<10000x128xf32, #tpu.memory_space<hbm>>) target(%arg10 : memref<80x128xf32, #tpu.memory_space<vmem>>) offsets(%dma_start3A_68 : memref<80xi32, #tpu.memory_space<vmem>>) semaphore(%arg14 : memref<!tpu.dma_semaphore, #tpu.memory_space<semaphore_mem>>)
      %add3A_72 = arith.constant 1 : i32
      %add3A_73 = arith.addi %mul3A_32, %add3A_72 : i32
      %mul3A_74 = arith.constant 80 : i32
      %mul3A_75 = arith.muli %add3A_73, %mul3A_74 : i32
      %dma_wait3A_76 = tpu.memref_slice %arg6[%mul3A_75] : memref<10000xi32, #tpu.memory_space<vmem>> -> memref<80xi32, #tpu.memory_space<vmem>>
      %dma_wait3A_77 = arith.constant 0 : i32
      %dma_wait3A_78 = arith.constant 0 : i32
      %dma_wait3A_79 = tpu.memref_slice %arg2[%dma_wait3A_77, %dma_wait3A_78] : memref<10000x128xf32, #tpu.memory_space<hbm>> -> memref<10000x128xf32, #tpu.memory_space<hbm>>
      tpu.wait_indirect_dma semaphore(%arg13 : memref<!tpu.dma_semaphore, #tpu.memory_space<semaphore_mem>>) src(%dma_wait3A_79 : memref<10000x128xf32, #tpu.memory_space<hbm>>) dst(%arg9 : memref<80x128xf32, #tpu.memory_space<vmem>>)
      %dma_wait3A_80 = tpu.memref_slice %arg7[%mul3A_75] : memref<10000xi32, #tpu.memory_space<vmem>> -> memref<80xi32, #tpu.memory_space<vmem>>
      %dma_wait3A_81 = arith.constant 0 : i32
      %dma_wait3A_82 = arith.constant 0 : i32
      %dma_wait3A_83 = tpu.memref_slice %arg2[%dma_wait3A_81, %dma_wait3A_82] : memref<10000x128xf32, #tpu.memory_space<hbm>> -> memref<10000x128xf32, #tpu.memory_space<hbm>>
      tpu.wait_indirect_dma semaphore(%arg15 : memref<!tpu.dma_semaphore, #tpu.memory_space<semaphore_mem>>) src(%dma_wait3A_83 : memref<10000x128xf32, #tpu.memory_space<hbm>>) dst(%arg11 : memref<80x128xf32, #tpu.memory_space<vmem>>)
      %add3A_84 = arith.constant 1 : i32
      %add3A_85 = arith.addi %mul3A_32, %add3A_84 : i32
      %mul3A_86 = arith.constant 80 : i32
      %mul3A_87 = arith.muli %add3A_85, %mul3A_86 : i32
      %add3A_88 = arith.addi %mul3A_2, %mul3A_87 : i32
      "tpu.region"() ({
        %run_scoped3A = tpu.sem_alloc : memref<!tpu.dma_semaphore, #tpu.memory_space<semaphore_mem>>
        %dma_start3A_91 = arith.constant 0 : i32
        %dma_start3A_92 = tpu.memref_slice %arg5[%add3A_88, %dma_start3A_91] : memref<640000x128xf32, #tpu.memory_space<hbm>> -> memref<80x128xf32, #tpu.memory_space<hbm>>
        %dma_start3A_93 = arith.constant 0 : i32
        %dma_start3A_94 = tpu.memref_slice %arg5[%add3A_88, %dma_start3A_93] : memref<640000x128xf32, #tpu.memory_space<hbm>> -> memref<80x128xf32, #tpu.memory_space<hbm>>
        tpu.enqueue_dma source(%arg9 : memref<80x128xf32, #tpu.memory_space<vmem>>) target(%dma_start3A_94 : memref<80x128xf32, #tpu.memory_space<hbm>>) target_semaphore(%run_scoped3A : memref<!tpu.dma_semaphore, #tpu.memory_space<semaphore_mem>>)
        %dma_wait3A_95 = arith.constant 0 : i32
        %dma_wait3A_96 = tpu.memref_slice %arg5[%add3A_88, %dma_wait3A_95] : memref<640000x128xf32, #tpu.memory_space<hbm>> -> memref<80x128xf32, #tpu.memory_space<hbm>>
        %dma_wait3A_97 = arith.constant 0 : i32
        %dma_wait3A_98 = tpu.memref_slice %arg5[%add3A_88, %dma_wait3A_97] : memref<640000x128xf32, #tpu.memory_space<hbm>> -> memref<80x128xf32, #tpu.memory_space<hbm>>
        tpu.wait_dma2 semaphore(%run_scoped3A : memref<!tpu.dma_semaphore, #tpu.memory_space<semaphore_mem>>) src(%arg9 : memref<80x128xf32, #tpu.memory_space<vmem>>) dst(%dma_wait3A_98 : memref<80x128xf32, #tpu.memory_space<hbm>>)
        tpu.yield
      }) : () -> ()
      %add3A_89 = arith.constant 320000 : i32
      %add3A_90 = arith.addi %add3A_89, %add3A_88 : i32
      "tpu.region"() ({
        %run_scoped3A = tpu.sem_alloc : memref<!tpu.dma_semaphore, #tpu.memory_space<semaphore_mem>>
        %dma_start3A_91 = arith.constant 0 : i32
        %dma_start3A_92 = tpu.memref_slice %arg5[%add3A_90, %dma_start3A_91] : memref<640000x128xf32, #tpu.memory_space<hbm>> -> memref<80x128xf32, #tpu.memory_space<hbm>>
        %dma_start3A_93 = arith.constant 0 : i32
        %dma_start3A_94 = tpu.memref_slice %arg5[%add3A_90, %dma_start3A_93] : memref<640000x128xf32, #tpu.memory_space<hbm>> -> memref<80x128xf32, #tpu.memory_space<hbm>>
        tpu.enqueue_dma source(%arg11 : memref<80x128xf32, #tpu.memory_space<vmem>>) target(%dma_start3A_94 : memref<80x128xf32, #tpu.memory_space<hbm>>) target_semaphore(%run_scoped3A : memref<!tpu.dma_semaphore, #tpu.memory_space<semaphore_mem>>)
        %dma_wait3A_95 = arith.constant 0 : i32
        %dma_wait3A_96 = tpu.memref_slice %arg5[%add3A_90, %dma_wait3A_95] : memref<640000x128xf32, #tpu.memory_space<hbm>> -> memref<80x128xf32, #tpu.memory_space<hbm>>
        %dma_wait3A_97 = arith.constant 0 : i32
        %dma_wait3A_98 = tpu.memref_slice %arg5[%add3A_90, %dma_wait3A_97] : memref<640000x128xf32, #tpu.memory_space<hbm>> -> memref<80x128xf32, #tpu.memory_space<hbm>>
        tpu.wait_dma2 semaphore(%run_scoped3A : memref<!tpu.dma_semaphore, #tpu.memory_space<semaphore_mem>>) src(%arg11 : memref<80x128xf32, #tpu.memory_space<vmem>>) dst(%dma_wait3A_98 : memref<80x128xf32, #tpu.memory_space<hbm>>)
        tpu.yield
      }) : () -> ()
    }
    %scan3A_16 = arith.constant 62 : i32
    %dma_wait3A = arith.constant 9920 : i32
    %dma_wait3A_17 = tpu.memref_slice %arg6[%dma_wait3A] : memref<10000xi32, #tpu.memory_space<vmem>> -> memref<80xi32, #tpu.memory_space<vmem>>
    %dma_wait3A_18 = arith.constant 0 : i32
    %dma_wait3A_19 = arith.constant 0 : i32
    %dma_wait3A_20 = tpu.memref_slice %arg2[%dma_wait3A_18, %dma_wait3A_19] : memref<10000x128xf32, #tpu.memory_space<hbm>> -> memref<10000x128xf32, #tpu.memory_space<hbm>>
    tpu.wait_indirect_dma semaphore(%arg12 : memref<!tpu.dma_semaphore, #tpu.memory_space<semaphore_mem>>) src(%dma_wait3A_20 : memref<10000x128xf32, #tpu.memory_space<hbm>>) dst(%arg8 : memref<80x128xf32, #tpu.memory_space<vmem>>)
    %dma_wait3A_21 = arith.constant 9920 : i32
    %dma_wait3A_22 = tpu.memref_slice %arg7[%dma_wait3A_21] : memref<10000xi32, #tpu.memory_space<vmem>> -> memref<80xi32, #tpu.memory_space<vmem>>
    %dma_wait3A_23 = arith.constant 0 : i32
    %dma_wait3A_24 = arith.constant 0 : i32
    %dma_wait3A_25 = tpu.memref_slice %arg2[%dma_wait3A_23, %dma_wait3A_24] : memref<10000x128xf32, #tpu.memory_space<hbm>> -> memref<10000x128xf32, #tpu.memory_space<hbm>>
    tpu.wait_indirect_dma semaphore(%arg14 : memref<!tpu.dma_semaphore, #tpu.memory_space<semaphore_mem>>) src(%dma_wait3A_25 : memref<10000x128xf32, #tpu.memory_space<hbm>>) dst(%arg10 : memref<80x128xf32, #tpu.memory_space<vmem>>)
    %add3A_26 = arith.constant 9920 : i32
    %add3A_27 = arith.addi %mul3A_2, %add3A_26 : i32
    "tpu.region"() ({
      %run_scoped3A = tpu.sem_alloc : memref<!tpu.dma_semaphore, #tpu.memory_space<semaphore_mem>>
      %dma_start3A_30 = arith.constant 0 : i32
      %dma_start3A_31 = tpu.memref_slice %arg5[%add3A_27, %dma_start3A_30] : memref<640000x128xf32, #tpu.memory_space<hbm>> -> memref<80x128xf32, #tpu.memory_space<hbm>>
      %dma_start3A_32 = arith.constant 0 : i32
      %dma_start3A_33 = tpu.memref_slice %arg5[%add3A_27, %dma_start3A_32] : memref<640000x128xf32, #tpu.memory_space<hbm>> -> memref<80x128xf32, #tpu.memory_space<hbm>>
      tpu.enqueue_dma source(%arg8 : memref<80x128xf32, #tpu.memory_space<vmem>>) target(%dma_start3A_33 : memref<80x128xf32, #tpu.memory_space<hbm>>) target_semaphore(%run_scoped3A : memref<!tpu.dma_semaphore, #tpu.memory_space<semaphore_mem>>)
      %dma_wait3A_34 = arith.constant 0 : i32
      %dma_wait3A_35 = tpu.memref_slice %arg5[%add3A_27, %dma_wait3A_34] : memref<640000x128xf32, #tpu.memory_space<hbm>> -> memref<80x128xf32, #tpu.memory_space<hbm>>
      %dma_wait3A_36 = arith.constant 0 : i32
      %dma_wait3A_37 = tpu.memref_slice %arg5[%add3A_27, %dma_wait3A_36] : memref<640000x128xf32, #tpu.memory_space<hbm>> -> memref<80x128xf32, #tpu.memory_space<hbm>>
      tpu.wait_dma2 semaphore(%run_scoped3A : memref<!tpu.dma_semaphore, #tpu.memory_space<semaphore_mem>>) src(%arg8 : memref<80x128xf32, #tpu.memory_space<vmem>>) dst(%dma_wait3A_37 : memref<80x128xf32, #tpu.memory_space<hbm>>)
      tpu.yield
    }) : () -> ()
    %add3A_28 = arith.constant 320000 : i32
    %add3A_29 = arith.addi %add3A_28, %add3A_27 : i32
    "tpu.region"() ({
      %run_scoped3A = tpu.sem_alloc : memref<!tpu.dma_semaphore, #tpu.memory_space<semaphore_mem>>
      %dma_start3A_30 = arith.constant 0 : i32
      %dma_start3A_31 = tpu.memref_slice %arg5[%add3A_29, %dma_start3A_30] : memref<640000x128xf32, #tpu.memory_space<hbm>> -> memref<80x128xf32, #tpu.memory_space<hbm>>
      %dma_start3A_32 = arith.constant 0 : i32
      %dma_start3A_33 = tpu.memref_slice %arg5[%add3A_29, %dma_start3A_32] : memref<640000x128xf32, #tpu.memory_space<hbm>> -> memref<80x128xf32, #tpu.memory_space<hbm>>
      tpu.enqueue_dma source(%arg10 : memref<80x128xf32, #tpu.memory_space<vmem>>) target(%dma_start3A_33 : memref<80x128xf32, #tpu.memory_space<hbm>>) target_semaphore(%run_scoped3A : memref<!tpu.dma_semaphore, #tpu.memory_space<semaphore_mem>>)
      %dma_wait3A_34 = arith.constant 0 : i32
      %dma_wait3A_35 = tpu.memref_slice %arg5[%add3A_29, %dma_wait3A_34] : memref<640000x128xf32, #tpu.memory_space<hbm>> -> memref<80x128xf32, #tpu.memory_space<hbm>>
      %dma_wait3A_36 = arith.constant 0 : i32
      %dma_wait3A_37 = tpu.memref_slice %arg5[%add3A_29, %dma_wait3A_36] : memref<640000x128xf32, #tpu.memory_space<hbm>> -> memref<80x128xf32, #tpu.memory_space<hbm>>
      tpu.wait_dma2 semaphore(%run_scoped3A : memref<!tpu.dma_semaphore, #tpu.memory_space<semaphore_mem>>) src(%arg10 : memref<80x128xf32, #tpu.memory_space<vmem>>) dst(%dma_wait3A_37 : memref<80x128xf32, #tpu.memory_space<hbm>>)
      tpu.yield
    }) : () -> ()
    return
  }
}

module attributes {stable_mosaic.version = 14 : i64} {
  func.func @_mm_body(%arg0: i32, %arg1: memref<2560x128xf32, #tpu.memory_space<vmem>>, %arg2: memref<2560x128xf32, #tpu.memory_space<vmem>>, %arg3: memref<256x512xf32, #tpu.memory_space<vmem>>, %arg4: memref<1x512xf32, #tpu.memory_space<vmem>>, %arg5: memref<512x128xf32, #tpu.memory_space<vmem>>, %arg6: memref<2560x1xf32, #tpu.memory_space<vmem>>) attributes {dimension_semantics = [#tpu.dimension_semantics<arbitrary>], iteration_bounds = array<i64: 125>, scalar_prefetch = 0 : i64, scratch_operands = 0 : i64, tpu.core_type = #tpu.core_type<tc>, window_params = [{transform_indices = @transform_0, window_bounds = array<i64: 2560, 128>}, {transform_indices = @transform_1, window_bounds = array<i64: 2560, 128>}, {pipeline_mode = #tpu.pipeline_mode<synchronous>, transform_indices = @transform_2, window_bounds = array<i64: 256, 512>}, {pipeline_mode = #tpu.pipeline_mode<synchronous>, transform_indices = @transform_3, window_bounds = array<i64: 1, 512>}, {pipeline_mode = #tpu.pipeline_mode<synchronous>, transform_indices = @transform_4, window_bounds = array<i64: 512, 128>}, {transform_indices = @transform_5, window_bounds = array<i64: 2560, 1>}]} {
    %get3A = arith.constant 0 : index
    %get3A_0 = arith.constant 0 : index
    %get3A_1 = vector.load %arg1[%get3A, %get3A_0] : memref<2560x128xf32, #tpu.memory_space<vmem>>, vector<2560x128xf32>
    %get3A_2 = arith.constant 0 : index
    %get3A_3 = arith.constant 0 : index
    %get3A_4 = vector.load %arg2[%get3A_2, %get3A_3] : memref<2560x128xf32, #tpu.memory_space<vmem>>, vector<2560x128xf32>
    %concatenate3A = tpu.concatenate %get3A_1, %get3A_4 in 1 : vector<2560x128xf32>, vector<2560x128xf32> -> vector<2560x256xf32>
    %get3A_5 = arith.constant 0 : index
    %get3A_6 = arith.constant 0 : index
    %get3A_7 = vector.load %arg3[%get3A_5, %get3A_6] : memref<256x512xf32, #tpu.memory_space<vmem>>, vector<256x512xf32>
    %dot_general3A = arith.constant dense<0.000000e+00> : vector<2560x512xf32>
    %dot_general3A_8 = tpu.matmul %concatenate3A, %get3A_7, %dot_general3A {dimension_numbers = #tpu.dot_dimension_numbers<[1], [0], [0], [1], [0, 0, 1, 1], [], []>, transpose_lhs_hint = false} : vector<2560x256xf32>, vector<256x512xf32>, vector<2560x512xf32> -> vector<2560x512xf32>
    %get3A_9 = arith.constant 0 : index
    %get3A_10 = arith.constant 0 : index
    %get3A_11 = vector.load %arg4[%get3A_9, %get3A_10] : memref<1x512xf32, #tpu.memory_space<vmem>>, vector<1x512xf32>
    %add3A = vector.broadcast %get3A_11 : vector<1x512xf32> to vector<2560x512xf32>
    %add3A_12 = arith.addf %dot_general3A_8, %add3A : vector<2560x512xf32>
    %max3A = arith.constant 0.000000e+00 : f32
    %max3A_13 = vector.broadcast %max3A : f32 to vector<2560x512xf32>
    %max3A_14 = arith.maximumf %add3A_12, %max3A_13 : vector<2560x512xf32>
    %get3A_15 = arith.constant 0 : index
    %get3A_16 = arith.constant 0 : index
    %get3A_17 = vector.load %arg5[%get3A_15, %get3A_16] : memref<512x128xf32, #tpu.memory_space<vmem>>, vector<512x128xf32>
    %dot_general3A_18 = arith.constant dense<0.000000e+00> : vector<2560x128xf32>
    %dot_general3A_19 = tpu.matmul %max3A_14, %get3A_17, %dot_general3A_18 {dimension_numbers = #tpu.dot_dimension_numbers<[1], [0], [0], [1], [0, 0, 1, 1], [], []>, transpose_lhs_hint = false} : vector<2560x512xf32>, vector<512x128xf32>, vector<2560x128xf32> -> vector<2560x128xf32>
    %slice3A = vector.extract_strided_slice %dot_general3A_19 {offsets = [0, 0], sizes = [2560, 1], strides = [1, 1]} : vector<2560x128xf32> to vector<2560x1xf32>
    %swap3A = arith.constant 0 : index
    %swap3A_20 = arith.constant 0 : index
    %swap3A_21 = vector.load %arg6[%swap3A, %swap3A_20] : memref<2560x1xf32, #tpu.memory_space<vmem>>, vector<2560x1xf32>
    tpu.vector_store %arg6[%swap3A, %swap3A_20], %slice3A {strides = array<i32>} : memref<2560x1xf32, #tpu.memory_space<vmem>>, vector<2560x1xf32>,
    return
  }
  func.func @transform_0(%arg0: i32) -> (i32, i32) {
    %c0_i32 = arith.constant 0 : i32
    %c0_i32_0 = arith.constant 0 : i32
    return %arg0, %c0_i32 : i32, i32
  }
  func.func @transform_1(%arg0: i32) -> (i32, i32) {
    %c0_i32 = arith.constant 0 : i32
    %c0_i32_0 = arith.constant 0 : i32
    return %arg0, %c0_i32 : i32, i32
  }
  func.func @transform_2(%arg0: i32) -> (i32, i32) {
    %c0_i32 = arith.constant 0 : i32
    %c0_i32_0 = arith.constant 0 : i32
    %c0_i32_1 = arith.constant 0 : i32
    return %c0_i32, %c0_i32_0 : i32, i32
  }
  func.func @transform_3(%arg0: i32) -> (i32, i32) {
    %c0_i32 = arith.constant 0 : i32
    %c0_i32_0 = arith.constant 0 : i32
    %c0_i32_1 = arith.constant 0 : i32
    return %c0_i32, %c0_i32_0 : i32, i32
  }
  func.func @transform_4(%arg0: i32) -> (i32, i32) {
    %c0_i32 = arith.constant 0 : i32
    %c0_i32_0 = arith.constant 0 : i32
    %c0_i32_1 = arith.constant 0 : i32
    return %c0_i32, %c0_i32_0 : i32, i32
  }
  func.func @transform_5(%arg0: i32) -> (i32, i32) {
    %c0_i32 = arith.constant 0 : i32
    %c0_i32_0 = arith.constant 0 : i32
    return %arg0, %c0_i32 : i32, i32
  }
}

module attributes {stable_mosaic.version = 14 : i64} {
  func.func @_topk_body(%arg0: memref<2500x128xf32, #tpu.memory_space<vmem>>, %arg1: memref<1x1xf32, #tpu.memory_space<smem>>, %arg2: memref<3x2500x128xf32, #tpu.memory_space<vmem>>) attributes {dimension_semantics = [], scalar_prefetch = 0 : i64, scratch_operands = 0 : i64, tpu.core_type = #tpu.core_type<tc>} {
    %get3A = arith.constant 0 : index
    %get3A_0 = arith.constant 0 : index
    %get3A_1 = vector.load %arg0[%get3A, %get3A_0] : memref<2500x128xf32, #tpu.memory_space<vmem>>, vector<2500x128xf32>
    %get3A_2 = arith.constant 0 : index
    %get3A_3 = arith.constant 0 : index
    %get3A_4 = memref.load %arg1[%get3A_2, %get3A_3] : memref<1x1xf32, #tpu.memory_space<smem>>
    %add3A = vector.broadcast %get3A_4 : f32 to vector<2500x128xf32>
    %add3A_5 = arith.addf %get3A_1, %add3A : vector<2500x128xf32>
    %bitcast_convert_type3A = tpu.bitcast %add3A_5 : vector<2500x128xf32> -> vector<2500x128xi32>
    %shift_right_arithmetic3A = arith.constant 31 : i32
    %shift_right_arithmetic3A_6 = vector.broadcast %shift_right_arithmetic3A : i32 to vector<2500x128xi32>
    %shift_right_arithmetic3A_7 = arith.shrsi %bitcast_convert_type3A, %shift_right_arithmetic3A_6 : vector<2500x128xi32>
    %or3A = arith.constant -2147483648 : i32
    %or3A_8 = vector.broadcast %or3A : i32 to vector<2500x128xi32>
    %or3A_9 = arith.ori %shift_right_arithmetic3A_7, %or3A_8 : vector<2500x128xi32>
    %xor3A = arith.xori %bitcast_convert_type3A, %or3A_9 : vector<2500x128xi32>
    %bitcast_convert_type3A_10 = tpu.bitcast %xor3A : vector<2500x128xi32> -> vector<2500x128xi32>
    %scan3A = arith.constant 0 : i32
    %scan3A_11 = arith.constant 0 : i32
    %scan3A_12 = arith.constant 32 : i32
    %scan3A_13 = arith.addi %scan3A_11, %scan3A_12 : i32
    %scan3A_14 = arith.constant 1 : i32
    %scan3A_15 = scf.for %scan3A_57 = %scan3A_11 to %scan3A_13 step %scan3A_14 iter_args(%scan3A_58 = %scan3A) -> (i32)  : i32 {
      %sub3A_59 = arith.constant 31 : i32
      %sub3A_60 = arith.subi %sub3A_59, %scan3A_57 : i32
      %shift_left3A = arith.constant 1 : i32
      %shift_left3A_61 = arith.shli %shift_left3A, %sub3A_60 : i32
      %or3A_62 = arith.ori %scan3A_58, %shift_left3A_61 : i32
      %ge3A = vector.broadcast %or3A_62 : i32 to vector<2500x128xi32>
      %ge3A_63 = arith.cmpi uge, %bitcast_convert_type3A_10, %ge3A : vector<2500x128xi32>
      %convert_element_type3A_64 = arith.extui %ge3A_63 : vector<2500x128xi1> to vector<2500x128xi32>
      %reduce_sum3A_65 = vector.shape_cast %convert_element_type3A_64 : vector<2500x128xi32> to vector<1x2500x128xi32>
      %reduce_sum3A_66 = arith.constant dense<0> : vector<1xi32>
      %reduce_sum3A_67 = vector.multi_reduction <add>, %reduce_sum3A_65, %reduce_sum3A_66 [1, 2] : vector<1x2500x128xi32> to vector<1xi32>
      %reduce_sum3A_68 = vector.shape_cast %reduce_sum3A_67 : vector<1xi32> to vector<1x1x1xi32>
      %reduce_sum3A_69 = vector.extract %reduce_sum3A_68[0, 0, 0] : i32 from vector<1x1x1xi32>
      %ge3A_70 = arith.constant 256000 : i32
      %ge3A_71 = arith.cmpi sge, %reduce_sum3A_69, %ge3A_70 : i32
      %select_n3A_72 = arith.select %ge3A_71, %or3A_62, %scan3A_58 : i32
      scf.yield %select_n3A_72 : i32
    }
    %scan3A_16 = arith.constant 32 : i32
    %gt3A = vector.broadcast %scan3A_15 : i32 to vector<2500x128xi32>
    %gt3A_17 = arith.cmpi ugt, %bitcast_convert_type3A_10, %gt3A : vector<2500x128xi32>
    %convert_element_type3A = arith.extui %gt3A_17 : vector<2500x128xi1> to vector<2500x128xi32>
    %reduce_sum3A = vector.shape_cast %convert_element_type3A : vector<2500x128xi32> to vector<1x2500x128xi32>
    %reduce_sum3A_18 = arith.constant dense<0> : vector<1xi32>
    %reduce_sum3A_19 = vector.multi_reduction <add>, %reduce_sum3A, %reduce_sum3A_18 [1, 2] : vector<1x2500x128xi32> to vector<1xi32>
    %reduce_sum3A_20 = vector.shape_cast %reduce_sum3A_19 : vector<1xi32> to vector<1x1x1xi32>
    %reduce_sum3A_21 = vector.extract %reduce_sum3A_20[0, 0, 0] : i32 from vector<1x1x1xi32>
    %sub3A = arith.constant 256000 : i32
    %sub3A_22 = arith.subi %sub3A, %reduce_sum3A_21 : i32
    %eq3A = vector.broadcast %scan3A_15 : i32 to vector<2500x128xi32>
    %eq3A_23 = arith.cmpi eq, %bitcast_convert_type3A_10, %eq3A : vector<2500x128xi32>
    %iota3A = tpu.iota {dimensions = array<i32: 0>} : vector<2500x128xi32>
    %mul3A = arith.constant 128 : i32
    %mul3A_24 = vector.broadcast %mul3A : i32 to vector<2500x128xi32>
    %mul3A_25 = arith.muli %iota3A, %mul3A_24 : vector<2500x128xi32>
    %iota3A_26 = tpu.iota {dimensions = array<i32: 1>} : vector<2500x128xi32>
    %add3A_27 = arith.addi %mul3A_25, %iota3A_26 : vector<2500x128xi32>
    %scan3A_28 = arith.constant 0 : i32
    %scan3A_29 = arith.constant 0 : i32
    %scan3A_30 = arith.constant 19 : i32
    %scan3A_31 = arith.addi %scan3A_29, %scan3A_30 : i32
    %scan3A_32 = arith.constant 1 : i32
    %scan3A_33 = scf.for %scan3A_57 = %scan3A_29 to %scan3A_31 step %scan3A_32 iter_args(%scan3A_58 = %scan3A_28) -> (i32)  : i32 {
      %sub3A_59 = arith.constant 18 : i32
      %sub3A_60 = arith.subi %sub3A_59, %scan3A_57 : i32
      %shift_left3A = arith.constant 1 : i32
      %shift_left3A_61 = arith.shli %shift_left3A, %sub3A_60 : i32
      %or3A_62 = arith.ori %scan3A_58, %shift_left3A_61 : i32
      %lt3A = vector.broadcast %or3A_62 : i32 to vector<2500x128xi32>
      %lt3A_63 = arith.cmpi slt, %add3A_27, %lt3A : vector<2500x128xi32>
      %and3A_64 = arith.andi %eq3A_23, %lt3A_63 : vector<2500x128xi1>
      %convert_element_type3A_65 = arith.extui %and3A_64 : vector<2500x128xi1> to vector<2500x128xi32>
      %reduce_sum3A_66 = vector.shape_cast %convert_element_type3A_65 : vector<2500x128xi32> to vector<1x2500x128xi32>
      %reduce_sum3A_67 = arith.constant dense<0> : vector<1xi32>
      %reduce_sum3A_68 = vector.multi_reduction <add>, %reduce_sum3A_66, %reduce_sum3A_67 [1, 2] : vector<1x2500x128xi32> to vector<1xi32>
      %reduce_sum3A_69 = vector.shape_cast %reduce_sum3A_68 : vector<1xi32> to vector<1x1x1xi32>
      %reduce_sum3A_70 = vector.extract %reduce_sum3A_69[0, 0, 0] : i32 from vector<1x1x1xi32>
      %lt3A_71 = arith.cmpi slt, %reduce_sum3A_70, %sub3A_22 : i32
      %select_n3A_72 = arith.select %lt3A_71, %or3A_62, %scan3A_58 : i32
      scf.yield %select_n3A_72 : i32
    }
    %scan3A_34 = arith.constant 19 : i32
    %gt3A_35 = vector.broadcast %scan3A_15 : i32 to vector<2500x128xi32>
    %gt3A_36 = arith.cmpi ugt, %bitcast_convert_type3A_10, %gt3A_35 : vector<2500x128xi32>
    %le3A = vector.broadcast %scan3A_33 : i32 to vector<2500x128xi32>
    %le3A_37 = arith.cmpi sle, %add3A_27, %le3A : vector<2500x128xi32>
    %and3A = arith.andi %eq3A_23, %le3A_37 : vector<2500x128xi1>
    %or3A_38 = arith.ori %gt3A_36, %and3A : vector<2500x128xi1>
    %jit3A = arith.constant 0.000000e+00 : f32
    %broadcast_in_dim3A = vector.broadcast %jit3A : f32 to vector<2500x128xf32>
    %select_n3A = arith.select %or3A_38, %add3A_5, %broadcast_in_dim3A : vector<2500x128xi1>, vector<2500x128xf32>
    %swap3A = arith.constant 0 : index
    %swap3A_39 = arith.constant 0 : index
    %swap3A_40 = arith.constant 0 : index
    %swap3A_41 = vector.load %arg2[%swap3A, %swap3A_39, %swap3A_40] : memref<3x2500x128xf32, #tpu.memory_space<vmem>>, vector<1x2500x128xf32>
    %swap3A_42 = vector.shape_cast %swap3A_41 : vector<1x2500x128xf32> to vector<2500x128xf32>
    %swap3A_43 = vector.shape_cast %add3A_5 : vector<2500x128xf32> to vector<1x2500x128xf32>
    tpu.vector_store %arg2[%swap3A, %swap3A_39, %swap3A_40], %swap3A_43 {strides = array<i32>} : memref<3x2500x128xf32, #tpu.memory_space<vmem>>, vector<1x2500x128xf32>,
    %swap3A_44 = arith.constant 1 : index
    %swap3A_45 = arith.constant 0 : index
    %swap3A_46 = arith.constant 0 : index
    %swap3A_47 = vector.load %arg2[%swap3A_44, %swap3A_45, %swap3A_46] : memref<3x2500x128xf32, #tpu.memory_space<vmem>>, vector<1x2500x128xf32>
    %swap3A_48 = vector.shape_cast %swap3A_47 : vector<1x2500x128xf32> to vector<2500x128xf32>
    %swap3A_49 = vector.shape_cast %select_n3A : vector<2500x128xf32> to vector<1x2500x128xf32>
    tpu.vector_store %arg2[%swap3A_44, %swap3A_45, %swap3A_46], %swap3A_49 {strides = array<i32>} : memref<3x2500x128xf32, #tpu.memory_space<vmem>>, vector<1x2500x128xf32>,
    %sub3A_50 = arith.subf %add3A_5, %select_n3A : vector<2500x128xf32>
    %swap3A_51 = arith.constant 2 : index
    %swap3A_52 = arith.constant 0 : index
    %swap3A_53 = arith.constant 0 : index
    %swap3A_54 = vector.load %arg2[%swap3A_51, %swap3A_52, %swap3A_53] : memref<3x2500x128xf32, #tpu.memory_space<vmem>>, vector<1x2500x128xf32>
    %swap3A_55 = vector.shape_cast %swap3A_54 : vector<1x2500x128xf32> to vector<2500x128xf32>
    %swap3A_56 = vector.shape_cast %sub3A_50 : vector<2500x128xf32> to vector<1x2500x128xf32>
    tpu.vector_store %arg2[%swap3A_51, %swap3A_52, %swap3A_53], %swap3A_56 {strides = array<i32>} : memref<3x2500x128xf32, #tpu.memory_space<vmem>>, vector<1x2500x128xf32>,
    return
  }
}

</mosaic_0001>

<sc_bundles>
// kernel: kernel.5.cloned.1.call-start
scs
__scs_entry_jumppad:
0x0: {  	(pc) =	sbr.rel $0x88, $3  }
0x1: {  	(tag) =	ssettag $0x0;
	lr =	simm.s32 $0x1  }
0x2: {  	[smem:$0x3F9B] =	sst lr;
	_ =	strace $0xD0000000  }
0x3: {  	_ = 	snop  }
0x4: {  	_ = 	snop  }
0x5: {  	_ = 	snop  }
0x6: {  	_ = 	snop  }
0x7: {  	_ = 	snop  }
__scs_overlays_trampoline_lowered:
0x8: {  	[smem:$0x3FAA] =	sst s0  }
0x9: {  	[smem:$0x3FAB] =	sst s1  }
0xa: {  	[smem:$0x3FAC] =	sst s2  }
0xb: {  	[smem:$0x3FAD] =	sst s3  }
0xc: {  	[smem:$0x3FAE] =	sst s4  }
0xd: {  	[smem:$0x3FAF] =	sst s5  }
0xe: {  	[smem:$0x3FB0] =	sst s6  }
0xf: {  	[smem:$0x3FB1] =	sst s7  }
0x10: {  	[smem:$0x3FB2] =	sst s8  }
0x11: {  	[smem:$0x3FB3] =	sst s9;
	s0 =	simm.s32 @!p0 $0x0  }
0x12: {  	s1 =	sld [smem:$0x3F99];
	s0 =	simm.s32 @p0 $0x1  }
0x13: {  	[smem:$0x3FB4] =	sst s0;
	s0 =	simm.s32 @!p1 $0x0  }
0x14: {  	s2 =	sld [smem:$0x3F98];
	s0 =	simm.s32 @p1 $0x1  }
0x15: {  	[smem:$0x3FB5] =	sst s0;
	s0 =	simm.s32 @!p2 $0x0  }
0x16: {  	s3 =	sld [smem:$0x3FDB];
	s0 =	simm.s32 @p2 $0x1  }
0x17: {  	s4 =	simm.s32 $0x1BF5;
	[smem:$0x3FB7] =	sst s0  }
0x18: {  	s0 =	sld [smem:$0x3F9A];
	_ =	swait.ge [sflag:s4], $0x0  }
0x19: {  	s7 =	sld [smem:$0x3F9B]  }
0x1a: {  	s8 =	sadd.s32 $0xFFFFE003, lr  }
0x1b: {  	s9 =	sadd.s32 $0xFFFFFEF7, lr;
	s5 =	simm.s32 $0xFFFFFFFF;
	p2 =	slt.u32 s8, $0xFFFFF086  }
0x1c: {  	p1 =	slt.u32 s9, $0xF7A;
	s5 =	simm.s32 @!p2 $0x0  }
0x1d: {  	s5 =	simm.s32 @p1 $0x1;
	p0 =	seq.s32 s7, s2  }
0x1e: {  	s7 =	smul.u32 @!p0 $0xF7A, s2;
	p2 =	seq.s32 @!p0 s5, $0x0  }
0x1f: {  	s9 =	smul.u32 $0xF7A, s1;
	s8 =	simm.s32 @!p0 $0x1BF5;
	p2 =	por !p2, p0  }
0x20: {  	[sflag:s8] =	ssyncset.s32 @!p0 $0xFFFFF086;
	s6 =	sadd.s32 @!p0 s3, s7;
	s7 =	simm.s32 @!p0 $0x108  }
0x21: {  	s3 =	sadd.s32 s3, s9;
	s6 =	sadd.s32 @!p0 $0x88, s6;
	s7 =	simm.s32 @p2 $0x1082  }
0x22: {  	[simem:s7], [sflag:s8] =	dma.local @!p0 [hbm:s6], $0xF7A  }
0x23: {  	s9 =	sor.u32 $0xD0000000, s2;
	s6 =	simm.s32 $0x108;
	_ =	swait.ge @!p0 [sflag:s8], $0x0  }
0x24: {  	s3 =	sadd.s32 $0x88, s3;
	s6 =	simm.s32 @!p1 $0x1082;
	[sflag:s4] =	ssyncset.s32 $0xFFFFF086  }
0x25: {  	[simem:s6], [sflag:s4] =	dma.local [hbm:s3], $0xF7A  }
0x26: {  	[smem:$0x3F9B] =	sst s1;
	(tag) =	ssettag s2;
	_ =	strace s9  }
0x27: {  	s1 =	sld [smem:$0x3FAB]  }
0x28: {  	s2 =	sld [smem:$0x3FAC]  }
0x29: {  	s4 =	sld [smem:$0x3FAE]  }
0x2a: {  	p0 =	seq.s32 s5, $0x0;
	s5 =	sld [smem:$0x3FAF]  }
0x2b: {  	s6 =	sld [smem:$0x3FB0]  }
0x2c: {  	s7 =	sld [smem:$0x3FB1]  }
0x2d: {  	s3 =	simm.s32 $0x108;
	s8 =	sld [smem:$0x3FB2]  }
0x2e: {  	s3 =	simm.s32 @!p0 $0x1082;
	s9 =	sld [smem:$0x3FB3]  }
0x2f: {  	lr =	sadd.s32 s0, s3;
	s0 =	sld [smem:$0x3FAA]  }
0x30: {  	s3 =	sld [smem:$0x3FAD]  }
0x31: {  	[smem:$0x3FB6] =	sst s10  }
0x32: {  	s10 =	sld [smem:$0x3FB4];
	_ =	sdelay $0x3  }
0x33: {  	p0 =	seq.s32 s10, $0x1;
	s10 =	sld [smem:$0x3FB6];
	_ =	sdelay $0x3  }
0x34: {  	[smem:$0x3FB6] =	sst s10  }
0x35: {  	s10 =	sld [smem:$0x3FB5];
	_ =	sdelay $0x3  }
0x36: {  	p1 =	seq.s32 s10, $0x1;
	s10 =	sld [smem:$0x3FB6];
	_ =	sdelay $0x3  }
0x37: {  	[smem:$0x3FB6] =	sst s10  }
0x38: {  	s10 =	sld [smem:$0x3FB7]  }
0x39: {  	_ = 	snop;
	(pc) =	sbr.ind lr, $3  }
0x3a: {  	_ = 	snop  }
0x3b: {  	_ = 	snop  }
0x3c: {  	p2 =	seq.s32 s10, $0x1;
	s10 =	sld [smem:$0x3FB6]  }
0x3d: {  	_ =	shalt  }
0x3e: {  	_ =	shalt  }
0x3f: {  	_ =	shalt  }
0x40: {  	_ =	shalt  }
0x41: {  	_ =	shalt  }
0x42: {  	_ =	shalt  }
0x43: {  	_ =	shalt  }
0x44: {  	_ =	shalt  }
0x45: {  	_ =	shalt  }
0x46: {  	_ =	shalt  }
0x47: {  	_ =	shalt  }
0x48: {  	_ =	shalt  }
0x49: {  	_ =	shalt  }
0x4a: {  	_ =	shalt  }
0x4b: {  	_ =	shalt  }
0x4c: {  	_ =	shalt  }
0x4d: {  	_ =	shalt  }
0x4e: {  	_ =	shalt  }
0x4f: {  	_ =	shalt  }
0x50: {  	_ =	shalt  }
0x51: {  	_ =	shalt  }
0x52: {  	_ =	shalt  }
0x53: {  	_ =	shalt  }
0x54: {  	_ =	shalt  }
0x55: {  	_ =	shalt  }
0x56: {  	_ =	shalt  }
0x57: {  	_ =	shalt  }
0x58: {  	_ =	shalt  }
0x59: {  	_ =	shalt  }
0x5a: {  	_ =	shalt  }
0x5b: {  	_ =	shalt  }
0x5c: {  	_ =	shalt  }
0x5d: {  	_ =	shalt  }
0x5e: {  	_ =	shalt  }
0x5f: {  	_ =	shalt  }
0x60: {  	_ =	shalt  }
0x61: {  	_ =	shalt  }
0x62: {  	_ =	shalt  }
0x63: {  	_ =	shalt  }
0x64: {  	_ =	shalt  }
0x65: {  	_ =	shalt  }
0x66: {  	_ =	shalt  }
0x67: {  	_ =	shalt  }
0x68: {  	_ =	shalt  }
0x69: {  	_ =	shalt  }
0x6a: {  	_ =	shalt  }
0x6b: {  	_ =	shalt  }
0x6c: {  	_ =	shalt  }
0x6d: {  	_ =	shalt  }
0x6e: {  	_ =	shalt  }
0x6f: {  	_ =	shalt  }
0x70: {  	_ =	shalt  }
0x71: {  	_ =	shalt  }
0x72: {  	_ =	shalt  }
0x73: {  	_ =	shalt  }
0x74: {  	_ =	shalt  }
0x75: {  	_ =	shalt  }
0x76: {  	_ =	shalt  }
0x77: {  	_ =	shalt  }
0x78: {  	_ =	shalt  }
0x79: {  	_ =	shalt  }
0x7a: {  	_ =	shalt  }
0x7b: {  	_ =	shalt  }
0x7c: {  	_ =	shalt  }
0x7d: {  	_ =	shalt  }
0x7e: {  	_ =	shalt  }
0x7f: {  	_ =	shalt  }
0x80: {  	_ =	shalt  }
0x81: {  	_ =	shalt  }
0x82: {  	_ =	shalt  }
0x83: {  	_ =	shalt  }
0x84: {  	_ =	shalt  }
0x85: {  	_ =	shalt  }
0x86: {  	_ =	shalt  }
0x87: {  	_ =	shalt  }
.Lfunc_end0:
.L_simem_size_0:
called_computation_lowered:
.L_overlay_start_0:
0x88: {  	s2 =	sld [smem:$0x3FD9]  }
0x89: {  	s3 =	sld [smem:$0x3FFE];
	_ =	sdelay $0x1  }
0x8a: {  	s1 =	srdreg.scid  }
0x8b: {  	s0 =	sand.u32 $0x1, s1  }
0x8c: {  	s17 =	sshll.u32 s0, $0xA;
	s2 =	sadd.s32 s3, s2  }
0x8d: {  	s2 =	sadd.s32 s2, s17  }
0x8e: {  	[smem:$0x3FC2] =	sst s2  }
0x8f: {  	_ = 	snop  }
0x90: {  	s2 =	sld [smem:$0x3FC9]  }
0x91: {  	s18 =	sld [smem:$0x3FD0];
	(tm) =	ssettm $0x1  }
0x92: {  	s4 =	sld [smem:$0x3FFB];
	_ =	sdelay $0x3  }
0x93: {  	_ =	strace s4  }
0x94: {  	s4 =	sld [smem:$0x3FFC];
	_ =	sdelay $0x3  }
0x95: {  	_ =	strace s4  }
0x96: {  	s4 =	sld [smem:$0x3FFD];
	_ =	sdelay $0x3  }
0x97: {  	_ =	strace s4  }
0x98: {  	_ =	strace $0x8FFFFFFF  }
0x99: {  	s19 =	sld [smem:$0x3FDB];
	_ =	sdelay $0x1  }
0x9a: {  	s5 =	simm.s32 $_scs_section_size  }
0x9b: {  	s6 =	simm.s32 $_size__tile_overlayer_lowered;
	s7 =	simm.s32 $_tile_overlayer_lowered  }
0x9c: {  	s22 =	simm.s32 $0x1BFF;
	s21 =	sshll.u32 s7, $0x1;
	s4 =	sadd.s32 s5, s19  }
0x9d: {  	s8 =	simm.s32 $0x0;
	s20 =	sshll.u32 s6, $0x1;
	s6 =	sadd.s32 s21, s4  }
0x9e: {  	[timem:s8], [sflag:s22] =	dma.local [hbm:s6], s20  }
0x9f: {  	_ =	swait.ge [sflag:s22], s20  }
0xa0: {  	s5 =	ssub.s32 $0x0, s20;
	[sflag:s22] =	ssyncset.done $0x0  }
0xa1: {  	[sflag:s22] =	ssyncadd.s32 s5;
	_ =	sdelay $0x1  }
0xa2: {  	s23 =	simm.s32 $0x1B8B  }
0xa3: {  	_ =	swait.ge [sflag:s23], $0x1  }
0xa4: {  	[sflag:s23] =	ssyncset.done $0x0  }
0xa5: {  	s25 =	simm.s32 $0x1B8E;
	s24 =	sld [smem:$0x3FFE];
	[sflag:s23] =	ssyncadd.s32 $0xFFFFFFFF  }
0xa6: {  	s26 =	simm.s32 $execute0_lowered;
	[smem:$0x3FD2] =	sst s25  }
0xa7: {  	s6 =	sshll.u32 s26, $0x1;
	_ =	strace $0x80000046;
	[dreg:$0x1] =	wrdreg $0xFFFFFFFF  }
0xa8: {  	s28 =	simm.s32 $_size_execute0_lowered;
	s4 =	sadd.s32 s4, s6;
	[dreg:$0x0] =	wrdreg $0x0  }
0xa9: {  	s6 =	sshll.u32 s28, $0x1;
	[dreg:$0x2] =	wrdreg s4  }
0xaa: {  	[dreg:$0x3] =	wrdreg s6  }
0xab: {  	[dreg:$0x4] =	wrdreg $0xC0  }
0xac: {  	_ =	task [dreg:s8], $0x5FFFF  }
0xad: {  	[dreg:$0x1] =	wrdreg $0xFFFFFFFF  }
0xae: {  	[dreg:$0x0] =	wrdreg $0x60  }
0xaf: {  	[dreg:$0x2] =	wrdreg s2  }
0xb0: {  	[dreg:$0x3] =	wrdreg s24  }
0xb1: {  	[dreg:$0x4] =	wrdreg s18  }
0xb2: {  	[dreg:$0x5] =	wrdreg $0x9  }
0xb3: {  	_ =	task.clear_ibuf [dreg:s8], $0x6FFFF;
	_ =	strace $0x90000046  }
0xb4: {  	s29 =	simm.s32 $0x9;
	_ =	strace $0x80000048  }
0xb5: {  	_ =	swait.ge [sflag:s29], $0x1  }
0xb6: {  	[sflag:s29] =	ssyncadd.s32 $0xFFFFFFFF  }
0xb7: {  	_ =	strace $0x90000048  }
0xb8: {  	_ =	sfence  }
0xb9: {  	s30 =	sld [smem:$0x0];
	_ =	sdelay $0x2  }
0xba: {  	s31 =	sshll.u32 s1, $0xD;
	s1 =	sshrl.u32 s1, $0x2  }
0xbb: {  	s3 =	sand.u32 $0x4000, s31;
	s1 =	sadd.s32 s1, s30  }
0xbc: {  	s0 =	sor.u32 s3, s0;
	s1 =	sshll.u32 s1, $0x11  }
0xbd: {  	s0 =	sor.u32 s1, s0  }
0xbe: {  	s0 =	sadd.s32 $0x8F2B, s0  }
0xbf: {  	[sflag:s0] =	ssyncadd.remote.s32 $0x1  }
0xc0: {  	_ =	sfence.sel $0xFFFF  }
0xc1: {  	[dreg:$0x0] =	wrdreg $0xFFFFFFFF;
	(pc) =	sbr.abs _section_cstart, $3  }
0xc2: {  	[dreg:$0x1] =	wrdreg $0xFFFFFFFF  }
0xc3: {  	_ =	task.clear_ibuf [dreg:s8], $0x2FFFF;
	_ =	strace $0x9FFFFFFF  }
0xc4: {  	(tm) =	ssettm $0x7FFFFFFF  }
0xc5: {  	_ =	shalt  }
tec
execute0_lowered:
.L_overlay_start_1:
0x0: {  	(tag) =	ssettag $0x1  }
0x1: {  	s1 =	rddreg [dreg:$0x0]  }
0x2: {  	s4 =	rddreg [dreg:$0x1]  }
0x3: {  	s2 =	srdreg.scid;
	s0 =	stileid.u32  }
0x4: {  	s5 =	rddreg [dreg:$0x2];
	s3 =	simm.s32 $0x0;
	s13 =	simm.s32 $0x4F00  }
0x5: {  	s14 =	simm.s32 $0x9F00;
	s15 =	simm.s32 $0x7700;
	s16 =	simm.s32 $0xC700  }
0x6: {  	s17 =	simm.s32 $0x1;
	s18 =	simm.s32 $0x3;
	s19 =	simm.s32 $0x2  }
0x7: {  	s20 =	simm.s32 $0x4;
	s21 =	simm.s32 $0x0;
	s6 =	sand.u32 $0x1, s2  }
0x8: {  	s7 =	sshll.u32 s0, $0x1;
	s2 =	rddreg [dreg:$0x3];
	s30 =	smul.u32 $0x4E200, s0  }
0x9: {  	[smem:$0x7FF] =	sst s3;
	s7 =	sor.u32 s6, s7;
	s12 =	smul.u32 $0x27100, s6  }
0xa: {  	s11 =	sadd.s32 $0x9E00, s4;
	s8 =	ssub.s32 $0x2, s6;
	s9 =	smul.u32 $0x2710, s7  }
0xb: {  	_ =	strace $0x80000047;
	s10 =	sshrl.u32 s8, $0x1;
	s7 =	smul.u32 $0x138800, s7  }
0xc: {  	s8 =	ssub.s32 s8, s10;
	s10 =	sadd.s32 s30, s11;
	s9 =	sshrl.u32 s9, $0x3  }
0xd: {  	s7 =	sshrl.u32 s7, $0x3;
	s31 =	sadd.s32 s12, s10;
	s8 =	smax.u32 s8, $0x1  }
0xe: {  	s10 =	simm.s32 $0x5;
	s12 =	simm.s32 $0x50;
	s4 =	sadd.s32 s4, s9  }
0xf: {  	s7 =	sadd.s32 s11, s7;
	s5 =	sadd.s32 s5, s9;
	s9 =	sadd.s32 $0x4E2000, s31  }
0x10: {  	s11 =	simm.s32 $0x2780;
	s6 =	sadd.s32 $0x26C00, s7;
	s7 =	sadd.s32 $0x508C00, s7  }
.LBB2_1:
0x11: {  	[tilespmem:s3], [sflag:$0x5] =	stream.linear.gather [hbm4b:s4+s3], $0x2710, $0x38;
	[tilespmem:$0xEF00] =	vst v63  }
0x12: {  	_ =	swait.ge [sflag:s10], $0x2710  }
0x13: {  	[sflag:s10] =	ssyncset.done $0x0  }
0x14: {  	[sflag:s10] =	ssyncadd.s32 $0xFFFFD8F0  }
0x15: {  	[tilespmem:s11], [sflag:$0x5] =	stream.linear.gather [hbm4b:s5+s3], $0x2710, $0x38;
	[tilespmem:$0xEF00] =	vst v63  }
0x16: {  	_ =	swait.ge [sflag:s10], $0x2710  }
0x17: {  	[sflag:s10] =	ssyncset.done $0x0  }
0x18: {  	[sflag:s10] =	ssyncadd.s32 $0xFFFFD8F0  }
0x19: {  	[tilespmem:s13], [sflag:$0x1] =	stream.indirect.gather [hbm4b:s1+s12], $0x80, s3, s12, $0xb8;
	[tilespmem:$0xEF00] =	vst v63  }
0x1a: {  	_ = 	snop  }
0x1b: {  	[tilespmem:s14], [sflag:$0x3] =	stream.indirect.gather [hbm4b:s1+s12], $0x80, s11, s12, $0xb8;
	[tilespmem:$0xEF00] =	vst v63  }
0x1c: {  	s22 =	simm.s32 $0x50  }
0x1d: {  	[tilespmem:s15], [sflag:$0x2] =	stream.indirect.gather [hbm4b:s1+s12], $0x80, s22, s12, $0xb8;
	[tilespmem:$0xEF00] =	vst v63  }
0x1e: {  	s25 =	simm.s32 $0x27D0  }
0x1f: {  	[tilespmem:s16], [sflag:$0x4] =	stream.indirect.gather [hbm4b:s1+s12], $0x80, s25, s12, $0xb8;
	[tilespmem:$0xEF00] =	vst v63  }
0x20: {  	_ =	swait.ge [sflag:s17], $0x2800  }
0x21: {  	[sflag:s17] =	ssyncset.done $0x0  }
0x22: {  	[sflag:s17] =	ssyncadd.s32 $0xFFFFD800  }
0x23: {  	_ =	swait.ge [sflag:s18], $0x2800  }
0x24: {  	[sflag:s18] =	ssyncset.done $0x0  }
0x25: {  	s26 =	sadd.s32 $0xFFB1E000, s9;
	[sflag:s18] =	ssyncadd.s32 $0xFFFFD800  }
0x26: {  	[hbm4b:s26+s3] =	stream.linear.scatter [tilespmem:s13], [sflag:$0x5], $0x2800, $0x38;
	[tilespmem:$0xEF00] =	vst v63  }
0x27: {  	_ =	swait.ge [sflag:s10], $0x2800  }
0x28: {  	[sflag:s10] =	ssyncset.done $0x0  }
0x29: {  	[sflag:s10] =	ssyncadd.s32 $0xFFFFD800  }
0x2a: {  	[hbm4b:s9+s3] =	stream.linear.scatter [tilespmem:s14], [sflag:$0x5], $0x2800, $0x38;
	[tilespmem:$0xEF00] =	vst v63  }
0x2b: {  	_ =	swait.ge [sflag:s10], $0x2800  }
0x2c: {  	[sflag:s10] =	ssyncset.done $0x0  }
0x2d: {  	s28 =	simm.s32 $0xA0;
	[sflag:s10] =	ssyncadd.s32 $0xFFFFD800  }
0x2e: {  	[tilespmem:s13], [sflag:$0x1] =	stream.indirect.gather [hbm4b:s1+s12], $0x80, s28, s12, $0xb8;
	[tilespmem:$0xEF00] =	vst v63  }
0x2f: {  	s29 =	simm.s32 $0x2820  }
0x30: {  	[tilespmem:s14], [sflag:$0x3] =	stream.indirect.gather [hbm4b:s1+s12], $0x80, s29, s12, $0xb8;
	[tilespmem:$0xEF00] =	vst v63  }
0x31: {  	_ =	swait.ge [sflag:s19], $0x2800  }
0x32: {  	[sflag:s19] =	ssyncset.done $0x0  }
0x33: {  	[sflag:s19] =	ssyncadd.s32 $0xFFFFD800  }
0x34: {  	_ =	swait.ge [sflag:s20], $0x2800  }
0x35: {  	[sflag:s20] =	ssyncset.done $0x0  }
0x36: {  	s30 =	sadd.s32 $0xFFB1E500, s9;
	[sflag:s20] =	ssyncadd.s32 $0xFFFFD800  }
0x37: {  	[hbm4b:s30+s3] =	stream.linear.scatter [tilespmem:s15], [sflag:$0x5], $0x2800, $0x38;
	[tilespmem:$0xEF00] =	vst v63  }
0x38: {  	_ =	swait.ge [sflag:s10], $0x2800  }
0x39: {  	[sflag:s10] =	ssyncset.done $0x0  }
0x3a: {  	s31 =	sadd.s32 $0x500, s9;
	[sflag:s10] =	ssyncadd.s32 $0xFFFFD800  }
0x3b: {  	[hbm4b:s31+s3] =	stream.linear.scatter [tilespmem:s16], [sflag:$0x5], $0x2800, $0x38;
	[tilespmem:$0xEF00] =	vst v63  }
0x3c: {  	s23 =	simm.s32 $0xA0;
	_ =	swait.ge [sflag:s10], $0x2800  }
0x3d: {  	s22 =	sadd.s32 $0xA00, s9;
	s26 =	simm.s32 $0x500;
	[sflag:s10] =	ssyncset.done $0x0  }
.LBB2_2:
0x3e: {  	s28 =	sadd.s32 $0x50, s23  }
0x3f: {  	[sflag:s10] =	ssyncadd.s32 $0xFFFFD800;
	s25 =	smov.u32 s26;
	s24 =	sadd.s32 $0x280, s26  }
0x40: {  	[tilespmem:s15], [sflag:$0x2] =	stream.indirect.gather [hbm4b:s1+s12], $0x80, s28, s12, $0xb8;
	[tilespmem:$0xEF00] =	vst v63  }
0x41: {  	p0 =	sne.s32 s26, $0x9880;
	s26 =	sadd.s32 $0x27D0, s23  }
0x42: {  	[tilespmem:s16], [sflag:$0x4] =	stream.indirect.gather [hbm4b:s1+s12], $0x80, s26, s12, $0xb8;
	[tilespmem:$0xEF00] =	vst v63  }
0x43: {  	_ =	swait.ge [sflag:s17], $0x2800  }
0x44: {  	[sflag:s17] =	ssyncset.done $0x0  }
0x45: {  	[sflag:s17] =	ssyncadd.s32 $0xFFFFD800  }
0x46: {  	_ =	swait.ge [sflag:s18], $0x2800  }
0x47: {  	[sflag:s18] =	ssyncset.done $0x0  }
0x48: {  	s26 =	sadd.s32 $0xFFB1E000, s22;
	[sflag:s18] =	ssyncadd.s32 $0xFFFFD800  }
0x49: {  	[hbm4b:s26+s3] =	stream.linear.scatter [tilespmem:s13], [sflag:$0x5], $0x2800, $0x38;
	[tilespmem:$0xEF00] =	vst v63  }
0x4a: {  	_ =	swait.ge [sflag:s10], $0x2800  }
0x4b: {  	[sflag:s10] =	ssyncset.done $0x0  }
0x4c: {  	[sflag:s10] =	ssyncadd.s32 $0xFFFFD800  }
0x4d: {  	[hbm4b:s22+s3] =	stream.linear.scatter [tilespmem:s14], [sflag:$0x5], $0x2800, $0x38;
	[tilespmem:$0xEF00] =	vst v63  }
0x4e: {  	_ =	swait.ge [sflag:s10], $0x2800  }
0x4f: {  	[sflag:s10] =	ssyncset.done $0x0  }
0x50: {  	s26 =	sadd.s32 $0xA0, s23;
	[sflag:s10] =	ssyncadd.s32 $0xFFFFD800  }
0x51: {  	[tilespmem:s13], [sflag:$0x1] =	stream.indirect.gather [hbm4b:s1+s12], $0x80, s26, s12, $0xb8;
	[tilespmem:$0xEF00] =	vst v63  }
0x52: {  	s23 =	sadd.s32 $0x2820, s23  }
0x53: {  	[tilespmem:s14], [sflag:$0x3] =	stream.indirect.gather [hbm4b:s1+s12], $0x80, s23, s12, $0xb8;
	[tilespmem:$0xEF00] =	vst v63  }
0x54: {  	_ =	swait.ge [sflag:s19], $0x2800  }
0x55: {  	[sflag:s19] =	ssyncset.done $0x0  }
0x56: {  	[sflag:s19] =	ssyncadd.s32 $0xFFFFD800  }
0x57: {  	_ =	swait.ge [sflag:s20], $0x2800  }
0x58: {  	[sflag:s20] =	ssyncset.done $0x0  }
0x59: {  	s23 =	sadd.s32 $0xFFB1E500, s22;
	[sflag:s20] =	ssyncadd.s32 $0xFFFFD800  }
0x5a: {  	[hbm4b:s23+s3] =	stream.linear.scatter [tilespmem:s15], [sflag:$0x5], $0x2800, $0x38;
	[tilespmem:$0xEF00] =	vst v63  }
0x5b: {  	_ =	swait.ge [sflag:s10], $0x2800  }
.Ltmp0:
0x5c: {  	[sflag:s10] =	ssyncset.done $0x0;
	(pc) =	sbr.rel @p0 .LBB2_2-.Ltmp0, $4  }
0x5d: {  	s23 =	sadd.s32 $0x500, s22;
	[sflag:s10] =	ssyncadd.s32 $0xFFFFD800  }
0x5e: {  	[hbm4b:s23+s3] =	stream.linear.scatter [tilespmem:s16], [sflag:$0x5], $0x2800, $0x38;
	[tilespmem:$0xEF00] =	vst v63  }
0x5f: {  	s26 =	smov.u32 s24;
	_ =	swait.ge [sflag:s10], $0x2800  }
0x60: {  	s22 =	sadd.s32 $0xA00, s22;
	s23 =	sshra.s32 s25, $0x2;
	[sflag:s10] =	ssyncset.done $0x0  }
0x61: {  	s24 =	sadd.s32 $0x50, s23;
	[sflag:s10] =	ssyncadd.s32 $0xFFFFD800  }
0x62: {  	[tilespmem:s15], [sflag:$0x2] =	stream.indirect.gather [hbm4b:s1+s12], $0x80, s24, s12, $0xb8;
	[tilespmem:$0xEF00] =	vst v63  }
0x63: {  	s25 =	sadd.s32 $0x27D0, s23  }
0x64: {  	[tilespmem:s16], [sflag:$0x4] =	stream.indirect.gather [hbm4b:s1+s12], $0x80, s25, s12, $0xb8;
	[tilespmem:$0xEF00] =	vst v63  }
0x65: {  	_ =	swait.ge [sflag:s17], $0x2800  }
0x66: {  	[sflag:s17] =	ssyncset.done $0x0  }
0x67: {  	[sflag:s17] =	ssyncadd.s32 $0xFFFFD800  }
0x68: {  	_ =	swait.ge [sflag:s18], $0x2800  }
0x69: {  	[sflag:s18] =	ssyncset.done $0x0  }
0x6a: {  	s26 =	sadd.s32 $0xFFB1E000, s22;
	[sflag:s18] =	ssyncadd.s32 $0xFFFFD800  }
0x6b: {  	[hbm4b:s26+s3] =	stream.linear.scatter [tilespmem:s13], [sflag:$0x5], $0x2800, $0x38;
	[tilespmem:$0xEF00] =	vst v63  }
0x6c: {  	_ =	swait.ge [sflag:s10], $0x2800  }
0x6d: {  	[sflag:s10] =	ssyncset.done $0x0  }
0x6e: {  	[sflag:s10] =	ssyncadd.s32 $0xFFFFD800  }
0x6f: {  	[hbm4b:s22+s3] =	stream.linear.scatter [tilespmem:s14], [sflag:$0x5], $0x2800, $0x38;
	[tilespmem:$0xEF00] =	vst v63  }
0x70: {  	_ =	swait.ge [sflag:s10], $0x2800  }
0x71: {  	[sflag:s10] =	ssyncset.done $0x0  }
0x72: {  	s28 =	sadd.s32 $0xA0, s23;
	[sflag:s10] =	ssyncadd.s32 $0xFFFFD800  }
0x73: {  	[tilespmem:s13], [sflag:$0x1] =	stream.indirect.gather [hbm4b:s1+s12], $0x80, s28, s12, $0xb8;
	[tilespmem:$0xEF00] =	vst v63  }
0x74: {  	s29 =	sadd.s32 $0x2820, s23  }
0x75: {  	[tilespmem:s14], [sflag:$0x3] =	stream.indirect.gather [hbm4b:s1+s12], $0x80, s29, s12, $0xb8;
	[tilespmem:$0xEF00] =	vst v63  }
0x76: {  	_ =	swait.ge [sflag:s19], $0x2800  }
0x77: {  	[sflag:s19] =	ssyncset.done $0x0  }
0x78: {  	[sflag:s19] =	ssyncadd.s32 $0xFFFFD800  }
0x79: {  	_ =	swait.ge [sflag:s20], $0x2800  }
0x7a: {  	[sflag:s20] =	ssyncset.done $0x0  }
0x7b: {  	s30 =	sadd.s32 $0xFFB1E500, s22;
	[sflag:s20] =	ssyncadd.s32 $0xFFFFD800  }
0x7c: {  	[hbm4b:s30+s3] =	stream.linear.scatter [tilespmem:s15], [sflag:$0x5], $0x2800, $0x38;
	[tilespmem:$0xEF00] =	vst v63  }
0x7d: {  	_ =	swait.ge [sflag:s10], $0x2800  }
0x7e: {  	[sflag:s10] =	ssyncset.done $0x0  }
0x7f: {  	s31 =	sadd.s32 $0x500, s22;
	[sflag:s10] =	ssyncadd.s32 $0xFFFFD800  }
0x80: {  	[hbm4b:s31+s3] =	stream.linear.scatter [tilespmem:s16], [sflag:$0x5], $0x2800, $0x38;
	[tilespmem:$0xEF00] =	vst v63  }
0x81: {  	_ =	swait.ge [sflag:s10], $0x2800  }
0x82: {  	[sflag:s10] =	ssyncset.done $0x0  }
0x83: {  	[sflag:s10] =	ssyncadd.s32 $0xFFFFD800  }
0x84: {  	_ =	swait.ge [sflag:s17], $0x2800  }
0x85: {  	[sflag:s17] =	ssyncset.done $0x0  }
0x86: {  	[sflag:s17] =	ssyncadd.s32 $0xFFFFD800  }
0x87: {  	_ =	swait.ge [sflag:s18], $0x2800  }
0x88: {  	[sflag:s18] =	ssyncset.done $0x0  }
0x89: {  	[sflag:s18] =	ssyncadd.s32 $0xFFFFD800  }
0x8a: {  	[hbm4b:s6+s3] =	stream.linear.scatter [tilespmem:s13], [sflag:$0x5], $0x2800, $0x38;
	[tilespmem:$0xEF00] =	vst v63  }
0x8b: {  	s21 =	sadd.s32 $0x1, s21;
	_ =	swait.ge [sflag:s10], $0x2800  }
0x8c: {  	p0 =	sne.s32 s21, s8;
	[sflag:s10] =	ssyncset.done $0x0  }
.Ltmp1:
0x8d: {  	[sflag:s10] =	ssyncadd.s32 $0xFFFFD800;
	(pc) =	sbr.rel @p0 .LBB2_1-.Ltmp1, $4  }
0x8e: {  	[hbm4b:s7+s3] =	stream.linear.scatter [tilespmem:s14], [sflag:$0x5], $0x2800, $0x38;
	[tilespmem:$0xEF00] =	vst v63  }
0x8f: {  	_ =	swait.ge [sflag:s10], $0x2800  }
0x90: {  	[sflag:s10] =	ssyncset.done $0x0  }
0x91: {  	[sflag:s10] =	ssyncadd.s32 $0xFFFFD800  }
0x92: {  	_ =	sfence.sel $0x180000  }
0x93: {  	[bflag:$0x0] =	sbarrier.arrive $0xFFFF  }
0x94: {  	p0 =	sne.s32 s0, $0x0;
	_ =	strace $0x90000047  }
0x95: {  	s0 =	sadd.s32 @!p0 $0x100000, s2;
	[bflag:$0x2] =	sbarrier.arrive $0xFFFF  }
0x96: {  	[sflag:s0] =	ssyncadd.tile.s32 @!p0 $0x1;
	_ =	shalt  }
.Lfunc_end2:
_tile_overlayer_lowered:
.L_overlay_start_2:
0x97: {  	(tag) =	ssettag $0x2  }
0x98: {  	s0 =	rddreg [dreg:$0x0];
	s2 =	stileid.u32  }
0x99: {  	s1 =	rddreg [dreg:$0x1];
	p0 =	sne.s32 s2, $0x0  }
0x9a: {  	s3 =	rddreg [dreg:$0x2];
	[bflag:$0x3] =	sbarrier.arrive $0xFFFF;
	s2 =	simm.s32 @!p0 $0x1C05  }
0x9b: {  	[timem:s3], [sflag:s2] =	dma.local @!p0 [hbm:s0], s1  }
0x9c: {  	s0 =	simm.s32 @!p0 $0x5  }
0x9d: {  	_ =	swait.ge @!p0 [sflag:s0], s1  }
0x9e: {  	s1 =	ssub.s32 @!p0 $0x0, s1;
	[sflag:s0] =	ssyncset.done @!p0 $0x0  }
0x9f: {  	[sflag:s0] =	ssyncadd.s32 @!p0 s1  }
0xa0: {  	[bflag:$0x3] =	sbarrier.arrive $0xFFFF  }
0xa1: {  	_ =	shalt  }

</sc_bundles>
